<compile_context>
chip_gen: v7x
topology: tpu7x:2x2x1
jax: 0.10.2.dev20260603
libtpu: 0.0.44.dev20260713+nightly
codegen_flags: <defaults>
</compile_context>

<pallas_src>
import functools

import jax
import jax.numpy as jnp
from jax import lax
from jax.experimental import pallas as pl
from jax.experimental.pallas import tpu as pltpu
from jax.experimental.pallas import tpu_sc as plsc

_NC = 2
_NS = 16
_NW = _NC * _NS
_B = 96
_H = 128


@functools.partial(jax.jit, static_argnames=("n", "epw"))
def _spmm_half(h, col2, row3, rowt2, zrows, *, n, epw):
    ch = epw // _B
    tl = epw - ch * _B
    nb = 3
    rpw = (n // _NS) // 8 * 8
    rlast = n - rpw * (_NS - 1)
    mesh = plsc.VectorSubcoreMesh(core_axis_name="c", subcore_axis_name="s")

    def body(h_hbm, col_hbm, row_hbm, rowt_hbm, z_hbm, out_hbm, colv, rowv,
             rowtv, b0, b1, b2, acc, g0, g1, g2, s0, s1, s2):
        bufs = [b0, b1, b2]
        gsems = [g0, g1, g2]
        ssems = [s0, s1, s2]
        c = lax.axis_index("c")
        s = lax.axis_index("s")
        w = c * _NS + s

        @pl.when(s < _NS - 1)
        def _():
            pltpu.sync_copy(z_hbm.at[pl.ds(0, rpw)], acc.at[pl.ds(s * rpw, rpw)])

        @pl.when(s == _NS - 1)
        def _():
            pltpu.sync_copy(z_hbm, acc.at[pl.ds(s * rpw, rlast)])

        pltpu.sync_copy(col_hbm.at[w], colv)
        pltpu.sync_copy(row_hbm.at[w], rowv)
        if tl:
            pltpu.sync_copy(rowt_hbm.at[w], rowtv)
        plsc.subcore_barrier()

        def pair(i0):
            gds = [pltpu.async_copy(
                h_hbm.at[colv.at[pl.ds((i0 + b) * _B, _B)]], bufs[b], gsems[b])
                for b in range(nb)]
            sds = []
            for b in range(nb):
                gds[b].wait()
                sds.append(pltpu.async_copy(bufs[b], acc.at[rowv.at[i0 + b]],
                                            ssems[b], add=True))
            for d in sds:
                d.wait()

        def step(j, carry):
            pair(j * nb)
            return carry

        lax.fori_loop(0, ch // nb, step, 0)
        for i in range(ch - ch % nb, ch):
            pltpu.async_copy(h_hbm.at[colv.at[pl.ds(i * _B, _B)]], bufs[0],
                             gsems[0]).wait()
            pltpu.async_copy(bufs[0], acc.at[rowv.at[i]], ssems[0],
                             add=True).wait()
        if tl:
            pltpu.async_copy(h_hbm.at[colv.at[pl.ds(ch * _B, tl)]],
                             bufs[0].at[pl.ds(0, tl)], gsems[0]).wait()
            pltpu.async_copy(bufs[0].at[pl.ds(0, tl)], acc.at[rowtv],
                             ssems[0], add=True).wait()
        plsc.subcore_barrier()

        @pl.when(s < _NS - 1)
        def _():
            pltpu.sync_copy(acc.at[pl.ds(s * rpw, rpw)],
                            out_hbm.at[c, pl.ds(s * rpw, rpw)])

        @pl.when(s == _NS - 1)
        def _():
            pltpu.sync_copy(acc.at[pl.ds(s * rpw, rlast)],
                            out_hbm.at[c, pl.ds(s * rpw, rlast)])

    return pl.kernel(
        body,
        out_type=jax.ShapeDtypeStruct((_NC, n, _H), jnp.float32),
        mesh=mesh,
        scratch_types=[
            pltpu.VMEM((epw,), jnp.int32),
            pltpu.VMEM((ch, _B), jnp.int32),
            pltpu.VMEM((max(tl, 8),), jnp.int32),
            pltpu.VMEM((_B, _H), jnp.float32),
            pltpu.VMEM((_B, _H), jnp.float32),
            pltpu.VMEM((_B, _H), jnp.float32),
            pltpu.VMEM_SHARED((n, _H), jnp.float32),
        ] + [pltpu.SemaphoreType.DMA for _ in range(6)],
    )(h, col2, row3, rowt2, zrows)


def _enc_in(x, w2, sen, n, rm):
    nr = n // rm
    d = x.shape[1]

    def body(sen_ref, x_ref, w_ref, oa_ref, ox_ref, s_ref):
        ids = lax.broadcasted_iota(jnp.int32, (1, d), 1)
        hit = ids == sen_ref[0]
        xv = x_ref[...]
        xm = jnp.where(hit, 0.0, xv)
        oa_ref[...] = jnp.dot(xm, w_ref[0], preferred_element_type=jnp.float32)
        ox_ref[...] = jnp.dot(xm, w_ref[1], preferred_element_type=jnp.float32)
        s_ref[...] = jnp.sum(jnp.where(hit, xv, 0.0), axis=1, keepdims=True)

    return pl.pallas_call(
        body,
        grid=(2, nr),
        in_specs=[
            pl.BlockSpec(memory_space=pltpu.SMEM),
            pl.BlockSpec((rm, d), lambda k, r: (r, 0)),
            pl.BlockSpec((2, d, _H), lambda k, r: (0, 0, 0)),
        ],
        out_specs=[
            pl.BlockSpec((rm, _H), lambda k, r: (k * nr + r, 0)),
            pl.BlockSpec((rm, _H), lambda k, r: (k * nr + r, 0)),
            pl.BlockSpec((rm, 1), lambda k, r: (r, 0)),
        ],
        out_shape=[
            jax.ShapeDtypeStruct((2 * n, _H), jnp.float32),
            jax.ShapeDtypeStruct((2 * n, _H), jnp.float32),
            jax.ShapeDtypeStruct((n, 1), jnp.float32),
        ],
    )(sen, x, w2)


def _enc_mid(sa_p, w, n, rm):
    nr = n // rm

    def body(x_ref, w_ref, o_ref):
        h = jnp.maximum(x_ref[0] + x_ref[1], 0.0)
        o_ref[...] = jnp.dot(h, w_ref[...], preferred_element_type=jnp.float32)

    return pl.pallas_call(
        body,
        grid=(2, nr),
        in_specs=[
            pl.BlockSpec((2, rm, _H), lambda k, r: (0, r, 0)),
            pl.BlockSpec((_H, _H), lambda k, r: (0, 0)),
        ],
        out_specs=pl.BlockSpec((rm, _H), lambda k, r: (k * nr + r, 0)),
        out_shape=jax.ShapeDtypeStruct((2 * n, _H), jnp.float32),
    )(sa_p, w)


def _decoder_a(za_p, s_col, w0, w1, b, n, rm, cn):
    nr = n // rm
    nc = pl.cdiv(n, cn)

    def body(z_ref, s_ref, w0_ref, w1_ref, b_ref, o_ref):
        z = z_ref[0] + z_ref[1]
        acc = jnp.dot(z, w0_ref[...], preferred_element_type=jnp.float32)
        o_ref[...] = jax.nn.sigmoid(acc + s_ref[...] * w1_ref[...] + b_ref[...])

    return pl.pallas_call(
        body,
        grid=(nr, nc),
        in_specs=[
            pl.BlockSpec((2, rm, _H), lambda r, c: (0, r, 0)),
            pl.BlockSpec((rm, 1), lambda r, c: (r, 0)),
            pl.BlockSpec((_H, cn), lambda r, c: (0, c)),
            pl.BlockSpec((1, cn), lambda r, c: (0, c)),
            pl.BlockSpec((1, cn), lambda r, c: (0, c)),
        ],
        out_specs=pl.BlockSpec((rm, cn), lambda r, c: (r, c)),
        out_shape=jax.ShapeDtypeStruct((n, n), jnp.float32),
    )(za_p, s_col, w0, w1, b)


def _decoder_xs(za_p, zx_p, s_col, wx0, wx1, bx, wsa, wsx, bsp, n, rm):
    nr = n // rm
    d = wx0.shape[1]

    def body(za_ref, zx_ref, s_ref, wx0_ref, wx1_ref, bx_ref,
             wsa_ref, wsx_ref, bsp_ref, xp_ref, sg_ref):
        za = za_ref[0] + za_ref[1]
        zx = zx_ref[0] + zx_ref[1]
        xp_ref[...] = (jnp.dot(zx, wx0_ref[...], preferred_element_type=jnp.float32)
                       + s_ref[...] * wx1_ref[...] + bx_ref[...])
        logits = (jnp.dot(za, wsa_ref[...], preferred_element_type=jnp.float32)
                  + jnp.dot(zx, wsx_ref[...], preferred_element_type=jnp.float32)
                  + bsp_ref[...])
        m = jnp.max(logits, axis=1, keepdims=True)
        ex = jnp.exp(logits - m)
        sg_ref[...] = ex / jnp.sum(ex, axis=1, keepdims=True)

    return pl.pallas_call(
        body,
        grid=(nr,),
        in_specs=[
            pl.BlockSpec((2, rm, _H), lambda r: (0, r, 0)),
            pl.BlockSpec((2, rm, _H), lambda r: (0, r, 0)),
            pl.BlockSpec((rm, 1), lambda r: (r, 0)),
            pl.BlockSpec((_H, d), lambda r: (0, 0)),
            pl.BlockSpec((1, d), lambda r: (0, 0)),
            pl.BlockSpec((1, d), lambda r: (0, 0)),
            pl.BlockSpec((_H, _H), lambda r: (0, 0)),
            pl.BlockSpec((_H, _H), lambda r: (0, 0)),
            pl.BlockSpec((1, _H), lambda r: (0, 0)),
        ],
        out_specs=[
            pl.BlockSpec((rm, d), lambda r: (r, 0)),
            pl.BlockSpec((rm, _H), lambda r: (r, 0)),
        ],
        out_shape=[
            jax.ShapeDtypeStruct((n, d), jnp.float32),
            jax.ShapeDtypeStruct((n, _H), jnp.float32),
        ],
    )(za_p, zx_p, s_col, wx0, wx1, bx, wsa, wsx, bsp)


def kernel(X, W_base_a, W_mean_a, W_logstd_a, W_base_x, W_mean_x, W_logstd_x,
           Wa, ba, Wx, bx, Ws, bs, edge_index, sen_idx):
    n, d = X.shape
    e = edge_index.shape[1]
    rm = 1000

    sen = jnp.asarray(sen_idx, dtype=jnp.int32).reshape(1)

    row = edge_index[0]
    col = edge_index[1]
    epw = e // _NW
    chf = epw // _B
    tl = epw - chf * _B
    col2 = col.reshape(_NW, epw) + jnp.where(
        jnp.arange(_NW, dtype=jnp.int32)[:, None] >= _NS, n, 0)
    roww = row.reshape(_NW, epw)
    row3 = roww[:, :chf * _B].reshape(_NW, chf, _B)
    rowt2 = roww[:, chf * _B:]
    rlast = n - (n // _NS) // 8 * 8 * (_NS - 1)
    zrows = jnp.zeros((rlast, _H), jnp.float32)

    wb2 = jnp.stack([W_base_a, W_base_x])
    xwad, xwxd, S = _enc_in(X, wb2, sen, n, rm)
    sa_a = _spmm_half(xwad, col2, row3, rowt2, zrows, n=n, epw=epw)
    hwd_a = _enc_mid(sa_a, W_mean_a, n, rm)
    za_p = _spmm_half(hwd_a, col2, row3, rowt2, zrows, n=n, epw=epw)
    col2x = col2 + (za_p[0, :1, :1] * 0.0).astype(jnp.int32)
    sa_x = _spmm_half(xwxd, col2x, row3, rowt2, zrows, n=n, epw=epw)
    hwd_x = _enc_mid(sa_x, W_mean_x, n, rm)
    zx_p = _spmm_half(hwd_x, col2x, row3, rowt2, zrows, n=n, epw=epw)

    A_pred = _decoder_a(za_p, S, Wa, ba.reshape(1, n), n, 2000, 2048)
    S2 = S + A_pred[:1, :1] * 0.0
    ws_pad = jnp.pad(Ws, ((0, 0), (0, _H - Ws.shape[1])))
    bs_pad = jnp.concatenate([bs, jnp.full((_H - bs.shape[0],), -1e30,
                                           jnp.float32)]).reshape(1, _H)
    X_pred, sg = _decoder_xs(za_p, zx_p, S2, Wx[:_H], Wx[_H:].reshape(1, d),
                             bx.reshape(1, d), ws_pad[:_H], ws_pad[_H:],
                             bs_pad, n, rm)
    S_agg_pred = sg[:, :Ws.shape[1]]
    return (A_pred, X_pred, S_agg_pred)

# --- scband reference (transcript-rebuilt; emitter-appended) ---
"""Pipeline reference for scband-cfda-19928648253628 (READ-ONLY COPY).

The authoritative reference and input builder live on the scoring server;
editing this copy changes nothing except your own understanding.
"""

import jax, jax.numpy as jnp
import numpy as np

N = 10000
D = 128
H = 128
E = 160000
S_NUM = 4

def _glorot(key, fan_in, fan_out):
    ir = float(np.sqrt(6.0 / (fan_in + fan_out)))
    return jax.random.uniform(key, (fan_in, fan_out), minval=-ir, maxval=ir, dtype=jnp.float32)

def setup_inputs(seed: int = 0):
    key = jax.random.key(seed)
    ks = jax.random.split(key, 12)
    X = jax.random.normal(ks[0], (N, D), dtype=jnp.float32)
    edge_index = jax.random.randint(ks[1], (2, E), 0, N, dtype=jnp.int32)
    return {
        "X": X,
        "W_base_a": _glorot(ks[2], D, H),
        "W_mean_a": _glorot(ks[3], H, H),
        "W_logstd_a": _glorot(ks[4], H, H),
        "W_base_x": _glorot(ks[5], D, H),
        "W_mean_x": _glorot(ks[6], H, H),
        "W_logstd_x": _glorot(ks[7], H, H),
        "Wa": _glorot(ks[8], H + 1, N),
        "ba": jnp.zeros((N,), dtype=jnp.float32),
        "Wx": _glorot(ks[9], H + 1, D),
        "bx": jnp.zeros((D,), dtype=jnp.float32),
        "Ws": _glorot(ks[10], 2 * H, S_NUM),
        "bs": jnp.zeros((S_NUM,), dtype=jnp.float32),
        "edge_index": edge_index,
        "sen_idx": 0,
    }

def reference(X, W_base_a, W_mean_a, W_logstd_a, W_base_x, W_mean_x, W_logstd_x, Wa, ba, Wx, bx, Ws, bs, edge_index, sen_idx):
    n = X.shape[0]
    row = edge_index[0]
    col = edge_index[1]
    def spmm(h):
        # adj @ h for binary sparse adj: gather rows at col, scatter-add to row
        return jax.ops.segment_sum(h[col], row, num_segments=n)
    S = X[:, sen_idx].reshape(-1, 1)
    X_ns = X.at[:, sen_idx].set(0.0)
    # encode_A (GAE eval path: sampled_z = mean)
    hidden_a = jax.nn.relu(spmm(X_ns @ W_base_a))
    Z_a = spmm(hidden_a @ W_mean_a)
    _logstd_a = spmm(hidden_a @ W_logstd_a)  # computed but unused in eval/GAE mode
    # encode_X
    hidden_x = jax.nn.relu(spmm(X_ns @ W_base_x))
    Z_x = spmm(hidden_x @ W_mean_x)
    _logstd_x = spmm(hidden_x @ W_logstd_x)
    # decoders
    A_pred = jax.nn.sigmoid(jnp.concatenate([Z_a, S], axis=1) @ Wa + ba)
    X_pred = jnp.concatenate([Z_x, S], axis=1) @ Wx + bx
    S_agg_pred = jax.nn.softmax(jnp.concatenate([Z_a, Z_x], axis=1) @ Ws + bs, axis=1)
    return (A_pred, X_pred, S_agg_pred)

if __name__ == "__main__":
    import jax
    _d = setup_inputs()
    print(jax.jit(kernel)(*tuple(_d.values())))

</pallas_src>

<mosaic_0001>
#map = affine_map<(d0, d1) -> (0, 0)>
#map1 = affine_map<(d0, d1) -> (0, 0, 0)>
module attributes {stable_mosaic.version = 14 : i64} {
  func.func @body(%arg0: i32, %arg1: i32, %arg2: memref<20000x128xf32, #tpu.memory_space<hbm>>, %arg3: memref<32x5000xi32, #tpu.memory_space<hbm>>, %arg4: memref<32x52x96xi32, #tpu.memory_space<hbm>>, %arg5: memref<32x8xi32, #tpu.memory_space<hbm>>, %arg6: memref<640x128xf32, #tpu.memory_space<hbm>>, %arg7: memref<2x10000x128xf32, #tpu.memory_space<hbm>>, %arg8: memref<5000xi32, #tpu.memory_space<vmem>>, %arg9: memref<52x96xi32, #tpu.memory_space<vmem>>, %arg10: memref<8xi32, #tpu.memory_space<vmem>>, %arg11: memref<96x128xf32, #tpu.memory_space<vmem>>, %arg12: memref<96x128xf32, #tpu.memory_space<vmem>>, %arg13: memref<96x128xf32, #tpu.memory_space<vmem>>, %arg14: memref<10000x128xf32, #tpu.memory_space<vmem_shared>>, %arg15: memref<!tpu.dma_semaphore, #tpu.memory_space<semaphore_mem>>, %arg16: memref<!tpu.dma_semaphore, #tpu.memory_space<semaphore_mem>>, %arg17: memref<!tpu.dma_semaphore, #tpu.memory_space<semaphore_mem>>, %arg18: memref<!tpu.dma_semaphore, #tpu.memory_space<semaphore_mem>>, %arg19: memref<!tpu.dma_semaphore, #tpu.memory_space<semaphore_mem>>, %arg20: memref<!tpu.dma_semaphore, #tpu.memory_space<semaphore_mem>>) attributes {dimension_semantics = [#tpu.dimension_semantics<core_parallel>, #tpu.dimension_semantics<subcore_parallel>], iteration_bounds = array<i64: 2, 16>, scalar_prefetch = 0 : i64, scratch_operands = 13 : i64, tpu.core_type = #tpu.core_type<sc_vector_subcore>, window_params = [{transform_indices = #map}, {transform_indices = #map}, {transform_indices = #map1}, {transform_indices = #map}, {transform_indices = #map}, {transform_indices = #map1}]} {
    %mul3A = arith.constant 16 : i32
    %mul3A_0 = arith.muli %arg0, %mul3A : i32
    %add3A = arith.addi %mul3A_0, %arg1 : i32
    %lt3A = arith.constant 15 : i32
    %lt3A_1 = arith.cmpi slt, %arg1, %lt3A : i32
    %convert_element_type3A = arith.extui %lt3A_1 : i1 to i32
    %cond3A = arith.constant 0 : i32
    %cond3A_2 = arith.cmpi ne, %convert_element_type3A, %cond3A : i32
    scf.if %cond3A_2 {
      %mul3A_73 = arith.constant 624 : i32
      %mul3A_74 = arith.muli %arg1, %mul3A_73 : i32
      "tpu.region"() ({
        %run_scoped3A = tpu.sem_alloc : memref<!tpu.dma_semaphore, #tpu.memory_space<semaphore_mem>>
        %dma_start3A_75 = arith.constant 0 : i32
        %dma_start3A_76 = tpu.memref_slice %arg14[%mul3A_74, %dma_start3A_75] : memref<10000x128xf32, #tpu.memory_space<vmem_shared>> -> memref<624x128xf32, #tpu.memory_space<vmem_shared>>
        %dma_start3A_77 = arith.constant 0 : i32
        %dma_start3A_78 = arith.constant 0 : i32
        %dma_start3A_79 = tpu.memref_slice %arg6[%dma_start3A_77, %dma_start3A_78] : memref<640x128xf32, #tpu.memory_space<hbm>> -> memref<624x128xf32, #tpu.memory_space<hbm>>
        tpu.enqueue_dma source(%dma_start3A_79 : memref<624x128xf32, #tpu.memory_space<hbm>>) target(%dma_start3A_76 : memref<624x128xf32, #tpu.memory_space<vmem_shared>>) target_semaphore(%run_scoped3A : memref<!tpu.dma_semaphore, #tpu.memory_space<semaphore_mem>>)
        %dma_wait3A_80 = arith.constant 0 : i32
        %dma_wait3A_81 = tpu.memref_slice %arg14[%mul3A_74, %dma_wait3A_80] : memref<10000x128xf32, #tpu.memory_space<vmem_shared>> -> memref<624x128xf32, #tpu.memory_space<vmem_shared>>
        %dma_wait3A_82 = arith.constant 0 : i32
        %dma_wait3A_83 = arith.constant 0 : i32
        %dma_wait3A_84 = tpu.memref_slice %arg6[%dma_wait3A_82, %dma_wait3A_83] : memref<640x128xf32, #tpu.memory_space<hbm>> -> memref<624x128xf32, #tpu.memory_space<hbm>>
        tpu.wait_dma2 semaphore(%run_scoped3A : memref<!tpu.dma_semaphore, #tpu.memory_space<semaphore_mem>>) src(%dma_wait3A_84 : memref<624x128xf32, #tpu.memory_space<hbm>>) dst(%dma_wait3A_81 : memref<624x128xf32, #tpu.memory_space<vmem_shared>>)
        tpu.yield
      }) : () -> ()
    } else {
    }
    %eq3A = arith.constant 15 : i32
    %eq3A_3 = arith.cmpi eq, %arg1, %eq3A : i32
    %convert_element_type3A_4 = arith.extui %eq3A_3 : i1 to i32
    %cond3A_5 = arith.constant 0 : i32
    %cond3A_6 = arith.cmpi ne, %convert_element_type3A_4, %cond3A_5 : i32
    scf.if %cond3A_6 {
      %mul3A_73 = arith.constant 624 : i32
      %mul3A_74 = arith.muli %arg1, %mul3A_73 : i32
      "tpu.region"() ({
        %run_scoped3A = tpu.sem_alloc : memref<!tpu.dma_semaphore, #tpu.memory_space<semaphore_mem>>
        %dma_start3A_75 = arith.constant 0 : i32
        %dma_start3A_76 = tpu.memref_slice %arg14[%mul3A_74, %dma_start3A_75] : memref<10000x128xf32, #tpu.memory_space<vmem_shared>> -> memref<640x128xf32, #tpu.memory_space<vmem_shared>>
        tpu.enqueue_dma source(%arg6 : memref<640x128xf32, #tpu.memory_space<hbm>>) target(%dma_start3A_76 : memref<640x128xf32, #tpu.memory_space<vmem_shared>>) target_semaphore(%run_scoped3A : memref<!tpu.dma_semaphore, #tpu.memory_space<semaphore_mem>>)
        %dma_wait3A_77 = arith.constant 0 : i32
        %dma_wait3A_78 = tpu.memref_slice %arg14[%mul3A_74, %dma_wait3A_77] : memref<10000x128xf32, #tpu.memory_space<vmem_shared>> -> memref<640x128xf32, #tpu.memory_space<vmem_shared>>
        tpu.wait_dma2 semaphore(%run_scoped3A : memref<!tpu.dma_semaphore, #tpu.memory_space<semaphore_mem>>) src(%arg6 : memref<640x128xf32, #tpu.memory_space<hbm>>) dst(%dma_wait3A_78 : memref<640x128xf32, #tpu.memory_space<vmem_shared>>)
        tpu.yield
      }) : () -> ()
    } else {
    }
    "tpu.region"() ({
      %run_scoped3A = tpu.sem_alloc : memref<!tpu.dma_semaphore, #tpu.memory_space<semaphore_mem>>
      %dma_start3A_73 = arith.constant 0 : i32
      %dma_start3A_74 = tpu.memref_slice %arg3[%add3A, %dma_start3A_73] : memref<32x5000xi32, #tpu.memory_space<hbm>> -> memref<1x5000xi32, #tpu.memory_space<hbm>>
      %dma_start3A_75 = tpu.memref_squeeze %dma_start3A_74 : memref<1x5000xi32, #tpu.memory_space<hbm>> -> memref<5000xi32, #tpu.memory_space<hbm>>
      %dma_start3A_76 = arith.constant 0 : i32
      %dma_start3A_77 = tpu.memref_slice %arg3[%add3A, %dma_start3A_76] : memref<32x5000xi32, #tpu.memory_space<hbm>> -> memref<1x5000xi32, #tpu.memory_space<hbm>>
      %dma_start3A_78 = tpu.memref_squeeze %dma_start3A_77 : memref<1x5000xi32, #tpu.memory_space<hbm>> -> memref<5000xi32, #tpu.memory_space<hbm>>
      tpu.enqueue_dma source(%dma_start3A_78 : memref<5000xi32, #tpu.memory_space<hbm>>) target(%arg8 : memref<5000xi32, #tpu.memory_space<vmem>>) target_semaphore(%run_scoped3A : memref<!tpu.dma_semaphore, #tpu.memory_space<semaphore_mem>>)
      %dma_wait3A_79 = arith.constant 0 : i32
      %dma_wait3A_80 = tpu.memref_slice %arg3[%add3A, %dma_wait3A_79] : memref<32x5000xi32, #tpu.memory_space<hbm>> -> memref<1x5000xi32, #tpu.memory_space<hbm>>
      %dma_wait3A_81 = tpu.memref_squeeze %dma_wait3A_80 : memref<1x5000xi32, #tpu.memory_space<hbm>> -> memref<5000xi32, #tpu.memory_space<hbm>>
      %dma_wait3A_82 = arith.constant 0 : i32
      %dma_wait3A_83 = tpu.memref_slice %arg3[%add3A, %dma_wait3A_82] : memref<32x5000xi32, #tpu.memory_space<hbm>> -> memref<1x5000xi32, #tpu.memory_space<hbm>>
      %dma_wait3A_84 = tpu.memref_squeeze %dma_wait3A_83 : memref<1x5000xi32, #tpu.memory_space<hbm>> -> memref<5000xi32, #tpu.memory_space<hbm>>
      tpu.wait_dma2 semaphore(%run_scoped3A : memref<!tpu.dma_semaphore, #tpu.memory_space<semaphore_mem>>) src(%dma_wait3A_84 : memref<5000xi32, #tpu.memory_space<hbm>>) dst(%arg8 : memref<5000xi32, #tpu.memory_space<vmem>>)
      tpu.yield
    }) : () -> ()
    "tpu.region"() ({
      %run_scoped3A = tpu.sem_alloc : memref<!tpu.dma_semaphore, #tpu.memory_space<semaphore_mem>>
      %dma_start3A_73 = arith.constant 0 : i32
      %dma_start3A_74 = arith.constant 0 : i32
      %dma_start3A_75 = tpu.memref_slice %arg4[%add3A, %dma_start3A_73, %dma_start3A_74] : memref<32x52x96xi32, #tpu.memory_space<hbm>> -> memref<1x52x96xi32, #tpu.memory_space<hbm>>
      %dma_start3A_76 = tpu.memref_squeeze %dma_start3A_75 : memref<1x52x96xi32, #tpu.memory_space<hbm>> -> memref<52x96xi32, #tpu.memory_space<hbm>>
      %dma_start3A_77 = arith.constant 0 : i32
      %dma_start3A_78 = arith.constant 0 : i32
      %dma_start3A_79 = tpu.memref_slice %arg4[%add3A, %dma_start3A_77, %dma_start3A_78] : memref<32x52x96xi32, #tpu.memory_space<hbm>> -> memref<1x52x96xi32, #tpu.memory_space<hbm>>
      %dma_start3A_80 = tpu.memref_squeeze %dma_start3A_79 : memref<1x52x96xi32, #tpu.memory_space<hbm>> -> memref<52x96xi32, #tpu.memory_space<hbm>>
      tpu.enqueue_dma source(%dma_start3A_80 : memref<52x96xi32, #tpu.memory_space<hbm>>) target(%arg9 : memref<52x96xi32, #tpu.memory_space<vmem>>) target_semaphore(%run_scoped3A : memref<!tpu.dma_semaphore, #tpu.memory_space<semaphore_mem>>)
      %dma_wait3A_81 = arith.constant 0 : i32
      %dma_wait3A_82 = arith.constant 0 : i32
      %dma_wait3A_83 = tpu.memref_slice %arg4[%add3A, %dma_wait3A_81, %dma_wait3A_82] : memref<32x52x96xi32, #tpu.memory_space<hbm>> -> memref<1x52x96xi32, #tpu.memory_space<hbm>>
      %dma_wait3A_84 = tpu.memref_squeeze %dma_wait3A_83 : memref<1x52x96xi32, #tpu.memory_space<hbm>> -> memref<52x96xi32, #tpu.memory_space<hbm>>
      %dma_wait3A_85 = arith.constant 0 : i32
      %dma_wait3A_86 = arith.constant 0 : i32
      %dma_wait3A_87 = tpu.memref_slice %arg4[%add3A, %dma_wait3A_85, %dma_wait3A_86] : memref<32x52x96xi32, #tpu.memory_space<hbm>> -> memref<1x52x96xi32, #tpu.memory_space<hbm>>
      %dma_wait3A_88 = tpu.memref_squeeze %dma_wait3A_87 : memref<1x52x96xi32, #tpu.memory_space<hbm>> -> memref<52x96xi32, #tpu.memory_space<hbm>>
      tpu.wait_dma2 semaphore(%run_scoped3A : memref<!tpu.dma_semaphore, #tpu.memory_space<semaphore_mem>>) src(%dma_wait3A_88 : memref<52x96xi32, #tpu.memory_space<hbm>>) dst(%arg9 : memref<52x96xi32, #tpu.memory_space<vmem>>)
      tpu.yield
    }) : () -> ()
    "tpu.region"() ({
      %run_scoped3A = tpu.sem_alloc : memref<!tpu.dma_semaphore, #tpu.memory_space<semaphore_mem>>
      %dma_start3A_73 = arith.constant 0 : i32
      %dma_start3A_74 = tpu.memref_slice %arg5[%add3A, %dma_start3A_73] : memref<32x8xi32, #tpu.memory_space<hbm>> -> memref<1x8xi32, #tpu.memory_space<hbm>>
      %dma_start3A_75 = tpu.memref_squeeze %dma_start3A_74 : memref<1x8xi32, #tpu.memory_space<hbm>> -> memref<8xi32, #tpu.memory_space<hbm>>
      %dma_start3A_76 = arith.constant 0 : i32
      %dma_start3A_77 = tpu.memref_slice %arg5[%add3A, %dma_start3A_76] : memref<32x8xi32, #tpu.memory_space<hbm>> -> memref<1x8xi32, #tpu.memory_space<hbm>>
      %dma_start3A_78 = tpu.memref_squeeze %dma_start3A_77 : memref<1x8xi32, #tpu.memory_space<hbm>> -> memref<8xi32, #tpu.memory_space<hbm>>
      tpu.enqueue_dma source(%dma_start3A_78 : memref<8xi32, #tpu.memory_space<hbm>>) target(%arg10 : memref<8xi32, #tpu.memory_space<vmem>>) target_semaphore(%run_scoped3A : memref<!tpu.dma_semaphore, #tpu.memory_space<semaphore_mem>>)
      %dma_wait3A_79 = arith.constant 0 : i32
      %dma_wait3A_80 = tpu.memref_slice %arg5[%add3A, %dma_wait3A_79] : memref<32x8xi32, #tpu.memory_space<hbm>> -> memref<1x8xi32, #tpu.memory_space<hbm>>
      %dma_wait3A_81 = tpu.memref_squeeze %dma_wait3A_80 : memref<1x8xi32, #tpu.memory_space<hbm>> -> memref<8xi32, #tpu.memory_space<hbm>>
      %dma_wait3A_82 = arith.constant 0 : i32
      %dma_wait3A_83 = tpu.memref_slice %arg5[%add3A, %dma_wait3A_82] : memref<32x8xi32, #tpu.memory_space<hbm>> -> memref<1x8xi32, #tpu.memory_space<hbm>>
      %dma_wait3A_84 = tpu.memref_squeeze %dma_wait3A_83 : memref<1x8xi32, #tpu.memory_space<hbm>> -> memref<8xi32, #tpu.memory_space<hbm>>
      tpu.wait_dma2 semaphore(%run_scoped3A : memref<!tpu.dma_semaphore, #tpu.memory_space<semaphore_mem>>) src(%dma_wait3A_84 : memref<8xi32, #tpu.memory_space<hbm>>) dst(%arg10 : memref<8xi32, #tpu.memory_space<vmem>>)
      tpu.yield
    }) : () -> ()
    %barrier3A = arith.constant 0 : index
    tpu.barrier barrier_id(%barrier3A)
    %scan3A = arith.constant 0 : i32
    %scan3A_7 = arith.constant 0 : i32
    %scan3A_8 = arith.constant 17 : i32
    %scan3A_9 = arith.addi %scan3A_7, %scan3A_8 : i32
    %scan3A_10 = arith.constant 1 : i32
    scf.for %scan3A_73 = %scan3A_7 to %scan3A_9 step %scan3A_10  : i32 {
      %mul3A_74 = arith.constant 3 : i32
      %mul3A_75 = arith.muli %scan3A_73, %mul3A_74 : i32
      %add3A_76 = arith.constant 0 : i32
      %add3A_77 = arith.addi %mul3A_75, %add3A_76 : i32
      %mul3A_78 = arith.constant 96 : i32
      %mul3A_79 = arith.muli %add3A_77, %mul3A_78 : i32
      %dma_start3A_80 = tpu.memref_slice %arg8[%mul3A_79] : memref<5000xi32, #tpu.memory_space<vmem>> -> memref<96xi32, #tpu.memory_space<vmem>>
      %dma_start3A_81 = arith.constant 0 : i32
      %dma_start3A_82 = arith.constant 0 : i32
      %dma_start3A_83 = tpu.memref_slice %arg2[%dma_start3A_81, %dma_start3A_82] : memref<20000x128xf32, #tpu.memory_space<hbm>> -> memref<20000x128xf32, #tpu.memory_space<hbm>>
      tpu.enqueue_indirect_dma source(%dma_start3A_83 : memref<20000x128xf32, #tpu.memory_space<hbm>>) target(%arg11 : memref<96x128xf32, #tpu.memory_space<vmem>>) offsets(%dma_start3A_80 : memref<96xi32, #tpu.memory_space<vmem>>) semaphore(%arg15 : memref<!tpu.dma_semaphore, #tpu.memory_space<semaphore_mem>>)
      %add3A_84 = arith.constant 1 : i32
      %add3A_85 = arith.addi %mul3A_75, %add3A_84 : i32
      %mul3A_86 = arith.constant 96 : i32
      %mul3A_87 = arith.muli %add3A_85, %mul3A_86 : i32
      %dma_start3A_88 = tpu.memref_slice %arg8[%mul3A_87] : memref<5000xi32, #tpu.memory_space<vmem>> -> memref<96xi32, #tpu.memory_space<vmem>>
      %dma_start3A_89 = arith.constant 0 : i32
      %dma_start3A_90 = arith.constant 0 : i32
      %dma_start3A_91 = tpu.memref_slice %arg2[%dma_start3A_89, %dma_start3A_90] : memref<20000x128xf32, #tpu.memory_space<hbm>> -> memref<20000x128xf32, #tpu.memory_space<hbm>>
      tpu.enqueue_indirect_dma source(%dma_start3A_91 : memref<20000x128xf32, #tpu.memory_space<hbm>>) target(%arg12 : memref<96x128xf32, #tpu.memory_space<vmem>>) offsets(%dma_start3A_88 : memref<96xi32, #tpu.memory_space<vmem>>) semaphore(%arg16 : memref<!tpu.dma_semaphore, #tpu.memory_space<semaphore_mem>>)
      %add3A_92 = arith.constant 2 : i32
      %add3A_93 = arith.addi %mul3A_75, %add3A_92 : i32
      %mul3A_94 = arith.constant 96 : i32
      %mul3A_95 = arith.muli %add3A_93, %mul3A_94 : i32
      %dma_start3A_96 = tpu.memref_slice %arg8[%mul3A_95] : memref<5000xi32, #tpu.memory_space<vmem>> -> memref<96xi32, #tpu.memory_space<vmem>>
      %dma_start3A_97 = arith.constant 0 : i32
      %dma_start3A_98 = arith.constant 0 : i32
      %dma_start3A_99 = tpu.memref_slice %arg2[%dma_start3A_97, %dma_start3A_98] : memref<20000x128xf32, #tpu.memory_space<hbm>> -> memref<20000x128xf32, #tpu.memory_space<hbm>>
      tpu.enqueue_indirect_dma source(%dma_start3A_99 : memref<20000x128xf32, #tpu.memory_space<hbm>>) target(%arg13 : memref<96x128xf32, #tpu.memory_space<vmem>>) offsets(%dma_start3A_96 : memref<96xi32, #tpu.memory_space<vmem>>) semaphore(%arg17 : memref<!tpu.dma_semaphore, #tpu.memory_space<semaphore_mem>>)
      %dma_wait3A_100 = tpu.memref_slice %arg8[%mul3A_79] : memref<5000xi32, #tpu.memory_space<vmem>> -> memref<96xi32, #tpu.memory_space<vmem>>
      %dma_wait3A_101 = arith.constant 0 : i32
      %dma_wait3A_102 = arith.constant 0 : i32
      %dma_wait3A_103 = tpu.memref_slice %arg2[%dma_wait3A_101, %dma_wait3A_102] : memref<20000x128xf32, #tpu.memory_space<hbm>> -> memref<20000x128xf32, #tpu.memory_space<hbm>>
      tpu.wait_indirect_dma semaphore(%arg15 : memref<!tpu.dma_semaphore, #tpu.memory_space<semaphore_mem>>) src(%dma_wait3A_103 : memref<20000x128xf32, #tpu.memory_space<hbm>>) dst(%arg11 : memref<96x128xf32, #tpu.memory_space<vmem>>)
      %add3A_104 = arith.constant 0 : i32
      %add3A_105 = arith.addi %mul3A_75, %add3A_104 : i32
      %dma_start3A_106 = arith.constant 0 : i32
      %dma_start3A_107 = tpu.memref_slice %arg9[%add3A_105, %dma_start3A_106] : memref<52x96xi32, #tpu.memory_space<vmem>> -> memref<1x96xi32, #tpu.memory_space<vmem>>
      %dma_start3A_108 = tpu.memref_squeeze %dma_start3A_107 : memref<1x96xi32, #tpu.memory_space<vmem>> -> memref<96xi32, #tpu.memory_space<vmem>>
      %dma_start3A_109 = arith.constant 0 : i32
      %dma_start3A_110 = arith.constant 0 : i32
      %dma_start3A_111 = tpu.memref_slice %arg14[%dma_start3A_109, %dma_start3A_110] : memref<10000x128xf32, #tpu.memory_space<vmem_shared>> -> memref<10000x128xf32, #tpu.memory_space<vmem_shared>>
      tpu.enqueue_indirect_dma source(%arg11 : memref<96x128xf32, #tpu.memory_space<vmem>>) target(%dma_start3A_111 : memref<10000x128xf32, #tpu.memory_space<vmem_shared>>) offsets(%dma_start3A_108 : memref<96xi32, #tpu.memory_space<vmem>>) semaphore(%arg18 : memref<!tpu.dma_semaphore, #tpu.memory_space<semaphore_mem>>) {add = true}
      %dma_wait3A_112 = tpu.memref_slice %arg8[%mul3A_87] : memref<5000xi32, #tpu.memory_space<vmem>> -> memref<96xi32, #tpu.memory_space<vmem>>
      %dma_wait3A_113 = arith.constant 0 : i32
      %dma_wait3A_114 = arith.constant 0 : i32
      %dma_wait3A_115 = tpu.memref_slice %arg2[%dma_wait3A_113, %dma_wait3A_114] : memref<20000x128xf32, #tpu.memory_space<hbm>> -> memref<20000x128xf32, #tpu.memory_space<hbm>>
      tpu.wait_indirect_dma semaphore(%arg16 : memref<!tpu.dma_semaphore, #tpu.memory_space<semaphore_mem>>) src(%dma_wait3A_115 : memref<20000x128xf32, #tpu.memory_space<hbm>>) dst(%arg12 : memref<96x128xf32, #tpu.memory_space<vmem>>)
      %add3A_116 = arith.constant 1 : i32
      %add3A_117 = arith.addi %mul3A_75, %add3A_116 : i32
      %dma_start3A_118 = arith.constant 0 : i32
      %dma_start3A_119 = tpu.memref_slice %arg9[%add3A_117, %dma_start3A_118] : memref<52x96xi32, #tpu.memory_space<vmem>> -> memref<1x96xi32, #tpu.memory_space<vmem>>
      %dma_start3A_120 = tpu.memref_squeeze %dma_start3A_119 : memref<1x96xi32, #tpu.memory_space<vmem>> -> memref<96xi32, #tpu.memory_space<vmem>>
      %dma_start3A_121 = arith.constant 0 : i32
      %dma_start3A_122 = arith.constant 0 : i32
      %dma_start3A_123 = tpu.memref_slice %arg14[%dma_start3A_121, %dma_start3A_122] : memref<10000x128xf32, #tpu.memory_space<vmem_shared>> -> memref<10000x128xf32, #tpu.memory_space<vmem_shared>>
      tpu.enqueue_indirect_dma source(%arg12 : memref<96x128xf32, #tpu.memory_space<vmem>>) target(%dma_start3A_123 : memref<10000x128xf32, #tpu.memory_space<vmem_shared>>) offsets(%dma_start3A_120 : memref<96xi32, #tpu.memory_space<vmem>>) semaphore(%arg19 : memref<!tpu.dma_semaphore, #tpu.memory_space<semaphore_mem>>) {add = true}
      %dma_wait3A_124 = tpu.memref_slice %arg8[%mul3A_95] : memref<5000xi32, #tpu.memory_space<vmem>> -> memref<96xi32, #tpu.memory_space<vmem>>
      %dma_wait3A_125 = arith.constant 0 : i32
      %dma_wait3A_126 = arith.constant 0 : i32
      %dma_wait3A_127 = tpu.memref_slice %arg2[%dma_wait3A_125, %dma_wait3A_126] : memref<20000x128xf32, #tpu.memory_space<hbm>> -> memref<20000x128xf32, #tpu.memory_space<hbm>>
      tpu.wait_indirect_dma semaphore(%arg17 : memref<!tpu.dma_semaphore, #tpu.memory_space<semaphore_mem>>) src(%dma_wait3A_127 : memref<20000x128xf32, #tpu.memory_space<hbm>>) dst(%arg13 : memref<96x128xf32, #tpu.memory_space<vmem>>)
      %add3A_128 = arith.constant 2 : i32
      %add3A_129 = arith.addi %mul3A_75, %add3A_128 : i32
      %dma_start3A_130 = arith.constant 0 : i32
      %dma_start3A_131 = tpu.memref_slice %arg9[%add3A_129, %dma_start3A_130] : memref<52x96xi32, #tpu.memory_space<vmem>> -> memref<1x96xi32, #tpu.memory_space<vmem>>
      %dma_start3A_132 = tpu.memref_squeeze %dma_start3A_131 : memref<1x96xi32, #tpu.memory_space<vmem>> -> memref<96xi32, #tpu.memory_space<vmem>>
      %dma_start3A_133 = arith.constant 0 : i32
      %dma_start3A_134 = arith.constant 0 : i32
      %dma_start3A_135 = tpu.memref_slice %arg14[%dma_start3A_133, %dma_start3A_134] : memref<10000x128xf32, #tpu.memory_space<vmem_shared>> -> memref<10000x128xf32, #tpu.memory_space<vmem_shared>>
      tpu.enqueue_indirect_dma source(%arg13 : memref<96x128xf32, #tpu.memory_space<vmem>>) target(%dma_start3A_135 : memref<10000x128xf32, #tpu.memory_space<vmem_shared>>) offsets(%dma_start3A_132 : memref<96xi32, #tpu.memory_space<vmem>>) semaphore(%arg20 : memref<!tpu.dma_semaphore, #tpu.memory_space<semaphore_mem>>) {add = true}
      %dma_wait3A_136 = arith.constant 0 : i32
      %dma_wait3A_137 = tpu.memref_slice %arg9[%add3A_105, %dma_wait3A_136] : memref<52x96xi32, #tpu.memory_space<vmem>> -> memref<1x96xi32, #tpu.memory_space<vmem>>
      %dma_wait3A_138 = tpu.memref_squeeze %dma_wait3A_137 : memref<1x96xi32, #tpu.memory_space<vmem>> -> memref<96xi32, #tpu.memory_space<vmem>>
      %dma_wait3A_139 = arith.constant 0 : i32
      %dma_wait3A_140 = arith.constant 0 : i32
      %dma_wait3A_141 = tpu.memref_slice %arg14[%dma_wait3A_139, %dma_wait3A_140] : memref<10000x128xf32, #tpu.memory_space<vmem_shared>> -> memref<10000x128xf32, #tpu.memory_space<vmem_shared>>
      tpu.wait_indirect_dma semaphore(%arg18 : memref<!tpu.dma_semaphore, #tpu.memory_space<semaphore_mem>>) src(%arg11 : memref<96x128xf32, #tpu.memory_space<vmem>>) dst(%dma_wait3A_141 : memref<10000x128xf32, #tpu.memory_space<vmem_shared>>)
      %dma_wait3A_142 = arith.constant 0 : i32
      %dma_wait3A_143 = tpu.memref_slice %arg9[%add3A_117, %dma_wait3A_142] : memref<52x96xi32, #tpu.memory_space<vmem>> -> memref<1x96xi32, #tpu.memory_space<vmem>>
      %dma_wait3A_144 = tpu.memref_squeeze %dma_wait3A_143 : memref<1x96xi32, #tpu.memory_space<vmem>> -> memref<96xi32, #tpu.memory_space<vmem>>
      %dma_wait3A_145 = arith.constant 0 : i32
      %dma_wait3A_146 = arith.constant 0 : i32
      %dma_wait3A_147 = tpu.memref_slice %arg14[%dma_wait3A_145, %dma_wait3A_146] : memref<10000x128xf32, #tpu.memory_space<vmem_shared>> -> memref<10000x128xf32, #tpu.memory_space<vmem_shared>>
      tpu.wait_indirect_dma semaphore(%arg19 : memref<!tpu.dma_semaphore, #tpu.memory_space<semaphore_mem>>) src(%arg12 : memref<96x128xf32, #tpu.memory_space<vmem>>) dst(%dma_wait3A_147 : memref<10000x128xf32, #tpu.memory_space<vmem_shared>>)
      %dma_wait3A_148 = arith.constant 0 : i32
      %dma_wait3A_149 = tpu.memref_slice %arg9[%add3A_129, %dma_wait3A_148] : memref<52x96xi32, #tpu.memory_space<vmem>> -> memref<1x96xi32, #tpu.memory_space<vmem>>
      %dma_wait3A_150 = tpu.memref_squeeze %dma_wait3A_149 : memref<1x96xi32, #tpu.memory_space<vmem>> -> memref<96xi32, #tpu.memory_space<vmem>>
      %dma_wait3A_151 = arith.constant 0 : i32
      %dma_wait3A_152 = arith.constant 0 : i32
      %dma_wait3A_153 = tpu.memref_slice %arg14[%dma_wait3A_151, %dma_wait3A_152] : memref<10000x128xf32, #tpu.memory_space<vmem_shared>> -> memref<10000x128xf32, #tpu.memory_space<vmem_shared>>
      tpu.wait_indirect_dma semaphore(%arg20 : memref<!tpu.dma_semaphore, #tpu.memory_space<semaphore_mem>>) src(%arg13 : memref<96x128xf32, #tpu.memory_space<vmem>>) dst(%dma_wait3A_153 : memref<10000x128xf32, #tpu.memory_space<vmem_shared>>)
    }
    %scan3A_11 = arith.constant 17 : i32
    %dma_start3A = arith.constant 4896 : i32
    %dma_start3A_12 = tpu.memref_slice %arg8[%dma_start3A] : memref<5000xi32, #tpu.memory_space<vmem>> -> memref<96xi32, #tpu.memory_space<vmem>>
    %dma_start3A_13 = arith.constant 0 : i32
    %dma_start3A_14 = arith.constant 0 : i32
    %dma_start3A_15 = tpu.memref_slice %arg2[%dma_start3A_13, %dma_start3A_14] : memref<20000x128xf32, #tpu.memory_space<hbm>> -> memref<20000x128xf32, #tpu.memory_space<hbm>>
    tpu.enqueue_indirect_dma source(%dma_start3A_15 : memref<20000x128xf32, #tpu.memory_space<hbm>>) target(%arg11 : memref<96x128xf32, #tpu.memory_space<vmem>>) offsets(%dma_start3A_12 : memref<96xi32, #tpu.memory_space<vmem>>) semaphore(%arg15 : memref<!tpu.dma_semaphore, #tpu.memory_space<semaphore_mem>>)
    %dma_wait3A = arith.constant 4896 : i32
    %dma_wait3A_16 = tpu.memref_slice %arg8[%dma_wait3A] : memref<5000xi32, #tpu.memory_space<vmem>> -> memref<96xi32, #tpu.memory_space<vmem>>
    %dma_wait3A_17 = arith.constant 0 : i32
    %dma_wait3A_18 = arith.constant 0 : i32
    %dma_wait3A_19 = tpu.memref_slice %arg2[%dma_wait3A_17, %dma_wait3A_18] : memref<20000x128xf32, #tpu.memory_space<hbm>> -> memref<20000x128xf32, #tpu.memory_space<hbm>>
    tpu.wait_indirect_dma semaphore(%arg15 : memref<!tpu.dma_semaphore, #tpu.memory_space<semaphore_mem>>) src(%dma_wait3A_19 : memref<20000x128xf32, #tpu.memory_space<hbm>>) dst(%arg11 : memref<96x128xf32, #tpu.memory_space<vmem>>)
    %dma_start3A_20 = arith.constant 51 : i32
    %dma_start3A_21 = arith.constant 0 : i32
    %dma_start3A_22 = tpu.memref_slice %arg9[%dma_start3A_20, %dma_start3A_21] : memref<52x96xi32, #tpu.memory_space<vmem>> -> memref<1x96xi32, #tpu.memory_space<vmem>>
    %dma_start3A_23 = tpu.memref_squeeze %dma_start3A_22 : memref<1x96xi32, #tpu.memory_space<vmem>> -> memref<96xi32, #tpu.memory_space<vmem>>
    %dma_start3A_24 = arith.constant 0 : i32
    %dma_start3A_25 = arith.constant 0 : i32
    %dma_start3A_26 = tpu.memref_slice %arg14[%dma_start3A_24, %dma_start3A_25] : memref<10000x128xf32, #tpu.memory_space<vmem_shared>> -> memref<10000x128xf32, #tpu.memory_space<vmem_shared>>
    tpu.enqueue_indirect_dma source(%arg11 : memref<96x128xf32, #tpu.memory_space<vmem>>) target(%dma_start3A_26 : memref<10000x128xf32, #tpu.memory_space<vmem_shared>>) offsets(%dma_start3A_23 : memref<96xi32, #tpu.memory_space<vmem>>) semaphore(%arg18 : memref<!tpu.dma_semaphore, #tpu.memory_space<semaphore_mem>>) {add = true}
    %dma_wait3A_27 = arith.constant 51 : i32
    %dma_wait3A_28 = arith.constant 0 : i32
    %dma_wait3A_29 = tpu.memref_slice %arg9[%dma_wait3A_27, %dma_wait3A_28] : memref<52x96xi32, #tpu.memory_space<vmem>> -> memref<1x96xi32, #tpu.memory_space<vmem>>
    %dma_wait3A_30 = tpu.memref_squeeze %dma_wait3A_29 : memref<1x96xi32, #tpu.memory_space<vmem>> -> memref<96xi32, #tpu.memory_space<vmem>>
    %dma_wait3A_31 = arith.constant 0 : i32
    %dma_wait3A_32 = arith.constant 0 : i32
    %dma_wait3A_33 = tpu.memref_slice %arg14[%dma_wait3A_31, %dma_wait3A_32] : memref<10000x128xf32, #tpu.memory_space<vmem_shared>> -> memref<10000x128xf32, #tpu.memory_space<vmem_shared>>
    tpu.wait_indirect_dma semaphore(%arg18 : memref<!tpu.dma_semaphore, #tpu.memory_space<semaphore_mem>>) src(%arg11 : memref<96x128xf32, #tpu.memory_space<vmem>>) dst(%dma_wait3A_33 : memref<10000x128xf32, #tpu.memory_space<vmem_shared>>)
    %dma_start3A_34 = arith.constant 0 : i32
    %dma_start3A_35 = arith.constant 0 : i32
    %dma_start3A_36 = tpu.memref_slice %arg11[%dma_start3A_34, %dma_start3A_35] : memref<96x128xf32, #tpu.memory_space<vmem>> -> memref<8x128xf32, #tpu.memory_space<vmem>>
    %dma_start3A_37 = arith.constant 4992 : i32
    %dma_start3A_38 = tpu.memref_slice %arg8[%dma_start3A_37] : memref<5000xi32, #tpu.memory_space<vmem>> -> memref<8xi32, #tpu.memory_space<vmem>>
    %dma_start3A_39 = arith.constant 0 : i32
    %dma_start3A_40 = arith.constant 0 : i32
    %dma_start3A_41 = tpu.memref_slice %arg2[%dma_start3A_39, %dma_start3A_40] : memref<20000x128xf32, #tpu.memory_space<hbm>> -> memref<20000x128xf32, #tpu.memory_space<hbm>>
    tpu.enqueue_indirect_dma source(%dma_start3A_41 : memref<20000x128xf32, #tpu.memory_space<hbm>>) target(%dma_start3A_36 : memref<8x128xf32, #tpu.memory_space<vmem>>) offsets(%dma_start3A_38 : memref<8xi32, #tpu.memory_space<vmem>>) semaphore(%arg15 : memref<!tpu.dma_semaphore, #tpu.memory_space<semaphore_mem>>)
    %dma_wait3A_42 = arith.constant 0 : i32
    %dma_wait3A_43 = arith.constant 0 : i32
    %dma_wait3A_44 = tpu.memref_slice %arg11[%dma_wait3A_42, %dma_wait3A_43] : memref<96x128xf32, #tpu.memory_space<vmem>> -> memref<8x128xf32, #tpu.memory_space<vmem>>
    %dma_wait3A_45 = arith.constant 4992 : i32
    %dma_wait3A_46 = tpu.memref_slice %arg8[%dma_wait3A_45] : memref<5000xi32, #tpu.memory_space<vmem>> -> memref<8xi32, #tpu.memory_space<vmem>>
    %dma_wait3A_47 = arith.constant 0 : i32
    %dma_wait3A_48 = arith.constant 0 : i32
    %dma_wait3A_49 = tpu.memref_slice %arg2[%dma_wait3A_47, %dma_wait3A_48] : memref<20000x128xf32, #tpu.memory_space<hbm>> -> memref<20000x128xf32, #tpu.memory_space<hbm>>
    tpu.wait_indirect_dma semaphore(%arg15 : memref<!tpu.dma_semaphore, #tpu.memory_space<semaphore_mem>>) src(%dma_wait3A_49 : memref<20000x128xf32, #tpu.memory_space<hbm>>) dst(%dma_wait3A_44 : memref<8x128xf32, #tpu.memory_space<vmem>>)
    %dma_start3A_50 = arith.constant 0 : i32
    %dma_start3A_51 = arith.constant 0 : i32
    %dma_start3A_52 = tpu.memref_slice %arg11[%dma_start3A_50, %dma_start3A_51] : memref<96x128xf32, #tpu.memory_space<vmem>> -> memref<8x128xf32, #tpu.memory_space<vmem>>
    %dma_start3A_53 = arith.constant 0 : i32
    %dma_start3A_54 = arith.constant 0 : i32
    %dma_start3A_55 = tpu.memref_slice %arg14[%dma_start3A_53, %dma_start3A_54] : memref<10000x128xf32, #tpu.memory_space<vmem_shared>> -> memref<10000x128xf32, #tpu.memory_space<vmem_shared>>
    tpu.enqueue_indirect_dma source(%dma_start3A_52 : memref<8x128xf32, #tpu.memory_space<vmem>>) target(%dma_start3A_55 : memref<10000x128xf32, #tpu.memory_space<vmem_shared>>) offsets(%arg10 : memref<8xi32, #tpu.memory_space<vmem>>) semaphore(%arg18 : memref<!tpu.dma_semaphore, #tpu.memory_space<semaphore_mem>>) {add = true}
    %dma_wait3A_56 = arith.constant 0 : i32
    %dma_wait3A_57 = arith.constant 0 : i32
    %dma_wait3A_58 = tpu.memref_slice %arg11[%dma_wait3A_56, %dma_wait3A_57] : memref<96x128xf32, #tpu.memory_space<vmem>> -> memref<8x128xf32, #tpu.memory_space<vmem>>
    %dma_wait3A_59 = arith.constant 0 : i32
    %dma_wait3A_60 = arith.constant 0 : i32
    %dma_wait3A_61 = tpu.memref_slice %arg14[%dma_wait3A_59, %dma_wait3A_60] : memref<10000x128xf32, #tpu.memory_space<vmem_shared>> -> memref<10000x128xf32, #tpu.memory_space<vmem_shared>>
    tpu.wait_indirect_dma semaphore(%arg18 : memref<!tpu.dma_semaphore, #tpu.memory_space<semaphore_mem>>) src(%dma_wait3A_58 : memref<8x128xf32, #tpu.memory_space<vmem>>) dst(%dma_wait3A_61 : memref<10000x128xf32, #tpu.memory_space<vmem_shared>>)
    %barrier3A_62 = arith.constant 0 : index
    tpu.barrier barrier_id(%barrier3A_62)
    %lt3A_63 = arith.constant 15 : i32
    %lt3A_64 = arith.cmpi slt, %arg1, %lt3A_63 : i32
    %convert_element_type3A_65 = arith.extui %lt3A_64 : i1 to i32
    %cond3A_66 = arith.constant 0 : i32
    %cond3A_67 = arith.cmpi ne, %convert_element_type3A_65, %cond3A_66 : i32
    scf.if %cond3A_67 {
      %mul3A_73 = arith.constant 624 : i32
      %mul3A_74 = arith.muli %arg1, %mul3A_73 : i32
      %mul3A_75 = arith.constant 624 : i32
      %mul3A_76 = arith.muli %arg1, %mul3A_75 : i32
      "tpu.region"() ({
        %run_scoped3A = tpu.sem_alloc : memref<!tpu.dma_semaphore, #tpu.memory_space<semaphore_mem>>
        %dma_start3A_77 = arith.constant 0 : i32
        %dma_start3A_78 = tpu.memref_slice %arg7[%arg0, %mul3A_76, %dma_start3A_77] : memref<2x10000x128xf32, #tpu.memory_space<hbm>> -> memref<1x624x128xf32, #tpu.memory_space<hbm>>
        %dma_start3A_79 = tpu.memref_squeeze %dma_start3A_78 : memref<1x624x128xf32, #tpu.memory_space<hbm>> -> memref<624x128xf32, #tpu.memory_space<hbm>>
        %dma_start3A_80 = arith.constant 0 : i32
        %dma_start3A_81 = tpu.memref_slice %arg14[%mul3A_74, %dma_start3A_80] : memref<10000x128xf32, #tpu.memory_space<vmem_shared>> -> memref<624x128xf32, #tpu.memory_space<vmem_shared>>
        tpu.enqueue_dma source(%dma_start3A_81 : memref<624x128xf32, #tpu.memory_space<vmem_shared>>) target(%dma_start3A_79 : memref<624x128xf32, #tpu.memory_space<hbm>>) target_semaphore(%run_scoped3A : memref<!tpu.dma_semaphore, #tpu.memory_space<semaphore_mem>>)
        %dma_wait3A_82 = arith.constant 0 : i32
        %dma_wait3A_83 = tpu.memref_slice %arg7[%arg0, %mul3A_76, %dma_wait3A_82] : memref<2x10000x128xf32, #tpu.memory_space<hbm>> -> memref<1x624x128xf32, #tpu.memory_space<hbm>>
        %dma_wait3A_84 = tpu.memref_squeeze %dma_wait3A_83 : memref<1x624x128xf32, #tpu.memory_space<hbm>> -> memref<624x128xf32, #tpu.memory_space<hbm>>
        %dma_wait3A_85 = arith.constant 0 : i32
        %dma_wait3A_86 = tpu.memref_slice %arg14[%mul3A_74, %dma_wait3A_85] : memref<10000x128xf32, #tpu.memory_space<vmem_shared>> -> memref<624x128xf32, #tpu.memory_space<vmem_shared>>
        tpu.wait_dma2 semaphore(%run_scoped3A : memref<!tpu.dma_semaphore, #tpu.memory_space<semaphore_mem>>) src(%dma_wait3A_86 : memref<624x128xf32, #tpu.memory_space<vmem_shared>>) dst(%dma_wait3A_84 : memref<624x128xf32, #tpu.memory_space<hbm>>)
        tpu.yield
      }) : () -> ()
    } else {
    }
    %eq3A_68 = arith.constant 15 : i32
    %eq3A_69 = arith.cmpi eq, %arg1, %eq3A_68 : i32
    %convert_element_type3A_70 = arith.extui %eq3A_69 : i1 to i32
    %cond3A_71 = arith.constant 0 : i32
    %cond3A_72 = arith.cmpi ne, %convert_element_type3A_70, %cond3A_71 : i32
    scf.if %cond3A_72 {
      %mul3A_73 = arith.constant 624 : i32
      %mul3A_74 = arith.muli %arg1, %mul3A_73 : i32
      %mul3A_75 = arith.constant 624 : i32
      %mul3A_76 = arith.muli %arg1, %mul3A_75 : i32
      "tpu.region"() ({
        %run_scoped3A = tpu.sem_alloc : memref<!tpu.dma_semaphore, #tpu.memory_space<semaphore_mem>>
        %dma_start3A_77 = arith.constant 0 : i32
        %dma_start3A_78 = tpu.memref_slice %arg7[%arg0, %mul3A_76, %dma_start3A_77] : memref<2x10000x128xf32, #tpu.memory_space<hbm>> -> memref<1x640x128xf32, #tpu.memory_space<hbm>>
        %dma_start3A_79 = tpu.memref_squeeze %dma_start3A_78 : memref<1x640x128xf32, #tpu.memory_space<hbm>> -> memref<640x128xf32, #tpu.memory_space<hbm>>
        %dma_start3A_80 = arith.constant 0 : i32
        %dma_start3A_81 = tpu.memref_slice %arg14[%mul3A_74, %dma_start3A_80] : memref<10000x128xf32, #tpu.memory_space<vmem_shared>> -> memref<640x128xf32, #tpu.memory_space<vmem_shared>>
        tpu.enqueue_dma source(%dma_start3A_81 : memref<640x128xf32, #tpu.memory_space<vmem_shared>>) target(%dma_start3A_79 : memref<640x128xf32, #tpu.memory_space<hbm>>) target_semaphore(%run_scoped3A : memref<!tpu.dma_semaphore, #tpu.memory_space<semaphore_mem>>)
        %dma_wait3A_82 = arith.constant 0 : i32
        %dma_wait3A_83 = tpu.memref_slice %arg7[%arg0, %mul3A_76, %dma_wait3A_82] : memref<2x10000x128xf32, #tpu.memory_space<hbm>> -> memref<1x640x128xf32, #tpu.memory_space<hbm>>
        %dma_wait3A_84 = tpu.memref_squeeze %dma_wait3A_83 : memref<1x640x128xf32, #tpu.memory_space<hbm>> -> memref<640x128xf32, #tpu.memory_space<hbm>>
        %dma_wait3A_85 = arith.constant 0 : i32
        %dma_wait3A_86 = tpu.memref_slice %arg14[%mul3A_74, %dma_wait3A_85] : memref<10000x128xf32, #tpu.memory_space<vmem_shared>> -> memref<640x128xf32, #tpu.memory_space<vmem_shared>>
        tpu.wait_dma2 semaphore(%run_scoped3A : memref<!tpu.dma_semaphore, #tpu.memory_space<semaphore_mem>>) src(%dma_wait3A_86 : memref<640x128xf32, #tpu.memory_space<vmem_shared>>) dst(%dma_wait3A_84 : memref<640x128xf32, #tpu.memory_space<hbm>>)
        tpu.yield
      }) : () -> ()
    } else {
    }
    return
  }
}

</mosaic_0001>

<sc_bundles>
// kernel: _spmm_half.3.cloned.1.call-start
scs
__scs_entry_jumppad:
0x0: {  	(pc) =	sbr.rel $0x88, $3  }
0x1: {  	(tag) =	ssettag $0x0;
	lr =	simm.s32 $0x1  }
0x2: {  	[smem:$0x3F9C] =	sst lr;
	_ =	strace $0xD0000000  }
0x3: {  	_ = 	snop  }
0x4: {  	_ = 	snop  }
0x5: {  	_ = 	snop  }
0x6: {  	_ = 	snop  }
0x7: {  	_ = 	snop  }
__scs_overlays_trampoline_lowered:
0x8: {  	[smem:$0x3FAB] =	sst s0  }
0x9: {  	[smem:$0x3FAC] =	sst s1  }
0xa: {  	[smem:$0x3FAD] =	sst s2  }
0xb: {  	[smem:$0x3FAE] =	sst s3  }
0xc: {  	[smem:$0x3FAF] =	sst s4  }
0xd: {  	[smem:$0x3FB0] =	sst s5  }
0xe: {  	[smem:$0x3FB1] =	sst s6  }
0xf: {  	[smem:$0x3FB2] =	sst s7  }
0x10: {  	[smem:$0x3FB3] =	sst s8  }
0x11: {  	[smem:$0x3FB4] =	sst s9;
	s0 =	simm.s32 @!p0 $0x0  }
0x12: {  	s1 =	sld [smem:$0x3F9A];
	s0 =	simm.s32 @p0 $0x1  }
0x13: {  	[smem:$0x3FB5] =	sst s0;
	s0 =	simm.s32 @!p1 $0x0  }
0x14: {  	s2 =	sld [smem:$0x3F99];
	s0 =	simm.s32 @p1 $0x1  }
0x15: {  	[smem:$0x3FB6] =	sst s0;
	s0 =	simm.s32 @!p2 $0x0  }
0x16: {  	s3 =	sld [smem:$0x3FDB];
	s0 =	simm.s32 @p2 $0x1  }
0x17: {  	s4 =	simm.s32 $0x1BF5;
	[smem:$0x3FB8] =	sst s0  }
0x18: {  	s0 =	sld [smem:$0x3F9B];
	_ =	swait.ge [sflag:s4], $0x0  }
0x19: {  	s7 =	sld [smem:$0x3F9C]  }
0x1a: {  	s8 =	sadd.s32 $0xFFFFE003, lr  }
0x1b: {  	s9 =	sadd.s32 $0xFFFFFEF7, lr;
	s5 =	simm.s32 $0xFFFFFFFF;
	p2 =	slt.u32 s8, $0xFFFFF086  }
0x1c: {  	p1 =	slt.u32 s9, $0xF7A;
	s5 =	simm.s32 @!p2 $0x0  }
0x1d: {  	s5 =	simm.s32 @p1 $0x1;
	p0 =	seq.s32 s7, s2  }
0x1e: {  	s7 =	smul.u32 @!p0 $0xF7A, s2;
	p2 =	seq.s32 @!p0 s5, $0x0  }
0x1f: {  	s9 =	smul.u32 $0xF7A, s1;
	s8 =	simm.s32 @!p0 $0x1BF5;
	p2 =	por !p2, p0  }
0x20: {  	[sflag:s8] =	ssyncset.s32 @!p0 $0xFFFFF086;
	s6 =	sadd.s32 @!p0 s3, s7;
	s7 =	simm.s32 @!p0 $0x108  }
0x21: {  	s3 =	sadd.s32 s3, s9;
	s6 =	sadd.s32 @!p0 $0x88, s6;
	s7 =	simm.s32 @p2 $0x1082  }
0x22: {  	[simem:s7], [sflag:s8] =	dma.local @!p0 [hbm:s6], $0xF7A  }
0x23: {  	s9 =	sor.u32 $0xD0000000, s2;
	s6 =	simm.s32 $0x108;
	_ =	swait.ge @!p0 [sflag:s8], $0x0  }
0x24: {  	s3 =	sadd.s32 $0x88, s3;
	s6 =	simm.s32 @!p1 $0x1082;
	[sflag:s4] =	ssyncset.s32 $0xFFFFF086  }
0x25: {  	[simem:s6], [sflag:s4] =	dma.local [hbm:s3], $0xF7A  }
0x26: {  	[smem:$0x3F9C] =	sst s1;
	(tag) =	ssettag s2;
	_ =	strace s9  }
0x27: {  	s1 =	sld [smem:$0x3FAC]  }
0x28: {  	s2 =	sld [smem:$0x3FAD]  }
0x29: {  	s4 =	sld [smem:$0x3FAF]  }
0x2a: {  	p0 =	seq.s32 s5, $0x0;
	s5 =	sld [smem:$0x3FB0]  }
0x2b: {  	s6 =	sld [smem:$0x3FB1]  }
0x2c: {  	s7 =	sld [smem:$0x3FB2]  }
0x2d: {  	s3 =	simm.s32 $0x108;
	s8 =	sld [smem:$0x3FB3]  }
0x2e: {  	s3 =	simm.s32 @!p0 $0x1082;
	s9 =	sld [smem:$0x3FB4]  }
0x2f: {  	lr =	sadd.s32 s0, s3;
	s0 =	sld [smem:$0x3FAB]  }
0x30: {  	s3 =	sld [smem:$0x3FAE]  }
0x31: {  	[smem:$0x3FB7] =	sst s10  }
0x32: {  	s10 =	sld [smem:$0x3FB5];
	_ =	sdelay $0x3  }
0x33: {  	p0 =	seq.s32 s10, $0x1;
	s10 =	sld [smem:$0x3FB7];
	_ =	sdelay $0x3  }
0x34: {  	[smem:$0x3FB7] =	sst s10  }
0x35: {  	s10 =	sld [smem:$0x3FB6];
	_ =	sdelay $0x3  }
0x36: {  	p1 =	seq.s32 s10, $0x1;
	s10 =	sld [smem:$0x3FB7];
	_ =	sdelay $0x3  }
0x37: {  	[smem:$0x3FB7] =	sst s10  }
0x38: {  	s10 =	sld [smem:$0x3FB8]  }
0x39: {  	_ = 	snop;
	(pc) =	sbr.ind lr, $3  }
0x3a: {  	_ = 	snop  }
0x3b: {  	_ = 	snop  }
0x3c: {  	p2 =	seq.s32 s10, $0x1;
	s10 =	sld [smem:$0x3FB7]  }
0x3d: {  	_ =	shalt  }
0x3e: {  	_ =	shalt  }
0x3f: {  	_ =	shalt  }
0x40: {  	_ =	shalt  }
0x41: {  	_ =	shalt  }
0x42: {  	_ =	shalt  }
0x43: {  	_ =	shalt  }
0x44: {  	_ =	shalt  }
0x45: {  	_ =	shalt  }
0x46: {  	_ =	shalt  }
0x47: {  	_ =	shalt  }
0x48: {  	_ =	shalt  }
0x49: {  	_ =	shalt  }
0x4a: {  	_ =	shalt  }
0x4b: {  	_ =	shalt  }
0x4c: {  	_ =	shalt  }
0x4d: {  	_ =	shalt  }
0x4e: {  	_ =	shalt  }
0x4f: {  	_ =	shalt  }
0x50: {  	_ =	shalt  }
0x51: {  	_ =	shalt  }
0x52: {  	_ =	shalt  }
0x53: {  	_ =	shalt  }
0x54: {  	_ =	shalt  }
0x55: {  	_ =	shalt  }
0x56: {  	_ =	shalt  }
0x57: {  	_ =	shalt  }
0x58: {  	_ =	shalt  }
0x59: {  	_ =	shalt  }
0x5a: {  	_ =	shalt  }
0x5b: {  	_ =	shalt  }
0x5c: {  	_ =	shalt  }
0x5d: {  	_ =	shalt  }
0x5e: {  	_ =	shalt  }
0x5f: {  	_ =	shalt  }
0x60: {  	_ =	shalt  }
0x61: {  	_ =	shalt  }
0x62: {  	_ =	shalt  }
0x63: {  	_ =	shalt  }
0x64: {  	_ =	shalt  }
0x65: {  	_ =	shalt  }
0x66: {  	_ =	shalt  }
0x67: {  	_ =	shalt  }
0x68: {  	_ =	shalt  }
0x69: {  	_ =	shalt  }
0x6a: {  	_ =	shalt  }
0x6b: {  	_ =	shalt  }
0x6c: {  	_ =	shalt  }
0x6d: {  	_ =	shalt  }
0x6e: {  	_ =	shalt  }
0x6f: {  	_ =	shalt  }
0x70: {  	_ =	shalt  }
0x71: {  	_ =	shalt  }
0x72: {  	_ =	shalt  }
0x73: {  	_ =	shalt  }
0x74: {  	_ =	shalt  }
0x75: {  	_ =	shalt  }
0x76: {  	_ =	shalt  }
0x77: {  	_ =	shalt  }
0x78: {  	_ =	shalt  }
0x79: {  	_ =	shalt  }
0x7a: {  	_ =	shalt  }
0x7b: {  	_ =	shalt  }
0x7c: {  	_ =	shalt  }
0x7d: {  	_ =	shalt  }
0x7e: {  	_ =	shalt  }
0x7f: {  	_ =	shalt  }
0x80: {  	_ =	shalt  }
0x81: {  	_ =	shalt  }
0x82: {  	_ =	shalt  }
0x83: {  	_ =	shalt  }
0x84: {  	_ =	shalt  }
0x85: {  	_ =	shalt  }
0x86: {  	_ =	shalt  }
0x87: {  	_ =	shalt  }
.Lfunc_end0:
.L_simem_size_0:
called_computation_lowered:
.L_overlay_start_0:
0x88: {  	s2 =	sld [smem:$0x3FD9]  }
0x89: {  	s3 =	sld [smem:$0x3FFE];
	_ =	sdelay $0x1  }
0x8a: {  	s1 =	srdreg.scid  }
0x8b: {  	s0 =	sand.u32 $0x1, s1  }
0x8c: {  	s17 =	sshll.u32 s0, $0xA;
	s2 =	sadd.s32 s3, s2  }
0x8d: {  	s2 =	sadd.s32 s2, s17  }
0x8e: {  	[smem:$0x3FC3] =	sst s2  }
0x8f: {  	_ = 	snop  }
0x90: {  	s2 =	sld [smem:$0x3FC9]  }
0x91: {  	s18 =	sld [smem:$0x3FC8]  }
0x92: {  	s4 =	sld [smem:$0x3FC5]  }
0x93: {  	s5 =	sld [smem:$0x3FD0];
	(tm) =	ssettm $0x1  }
0x94: {  	s6 =	sld [smem:$0x3FFB];
	_ =	sdelay $0x3  }
0x95: {  	_ =	strace s6  }
0x96: {  	s6 =	sld [smem:$0x3FFC];
	_ =	sdelay $0x3  }
0x97: {  	_ =	strace s6  }
0x98: {  	s6 =	sld [smem:$0x3FFD];
	_ =	sdelay $0x3  }
0x99: {  	_ =	strace s6  }
0x9a: {  	_ =	strace $0x8FFFFFFF  }
0x9b: {  	s19 =	sld [smem:$0x3FDB];
	_ =	sdelay $0x1  }
0x9c: {  	s7 =	simm.s32 $_scs_section_size  }
0x9d: {  	s8 =	simm.s32 $_size__tile_overlayer_lowered;
	s9 =	simm.s32 $_tile_overlayer_lowered  }
0x9e: {  	s22 =	simm.s32 $0x1BFF;
	s21 =	sshll.u32 s9, $0x1;
	s6 =	sadd.s32 s7, s19  }
0x9f: {  	s10 =	simm.s32 $0x0;
	s20 =	sshll.u32 s8, $0x1;
	s8 =	sadd.s32 s21, s6  }
0xa0: {  	[timem:s10], [sflag:s22] =	dma.local [hbm:s8], s20  }
0xa1: {  	_ =	swait.ge [sflag:s22], s20  }
0xa2: {  	s7 =	ssub.s32 $0x0, s20;
	[sflag:s22] =	ssyncset.done $0x0  }
0xa3: {  	[sflag:s22] =	ssyncadd.s32 s7;
	_ =	sdelay $0x1  }
0xa4: {  	s23 =	simm.s32 $0x1B8B  }
0xa5: {  	_ =	swait.ge [sflag:s23], $0x1  }
0xa6: {  	[sflag:s23] =	ssyncset.done $0x0  }
0xa7: {  	s25 =	simm.s32 $0x1B8E;
	s24 =	sld [smem:$0x3FFE];
	[sflag:s23] =	ssyncadd.s32 $0xFFFFFFFF  }
0xa8: {  	s26 =	simm.s32 $execute0_lowered;
	[smem:$0x3FD2] =	sst s25  }
0xa9: {  	s8 =	sshll.u32 s26, $0x1;
	_ =	strace $0x80000046;
	[dreg:$0x1] =	wrdreg $0xFFFFFFFF  }
0xaa: {  	s28 =	simm.s32 $_size_execute0_lowered;
	s6 =	sadd.s32 s6, s8;
	[dreg:$0x0] =	wrdreg $0x0  }
0xab: {  	s8 =	sshll.u32 s28, $0x1;
	[dreg:$0x2] =	wrdreg s6  }
0xac: {  	[dreg:$0x3] =	wrdreg s8  }
0xad: {  	[dreg:$0x4] =	wrdreg $0xC0  }
0xae: {  	_ =	task [dreg:s10], $0x5FFFF  }
0xaf: {  	[dreg:$0x1] =	wrdreg $0xFFFFFFFF  }
0xb0: {  	[dreg:$0x0] =	wrdreg $0x60  }
0xb1: {  	[dreg:$0x2] =	wrdreg s2  }
0xb2: {  	[dreg:$0x3] =	wrdreg s18  }
0xb3: {  	[dreg:$0x4] =	wrdreg s24  }
0xb4: {  	[dreg:$0x5] =	wrdreg s4  }
0xb5: {  	[dreg:$0x6] =	wrdreg s5  }
0xb6: {  	[dreg:$0x7] =	wrdreg $0xC0800  }
0xb7: {  	[dreg:$0x8] =	wrdreg $0x9  }
0xb8: {  	_ =	task.clear_ibuf [dreg:s10], $0x9FFFF;
	_ =	strace $0x90000046  }
0xb9: {  	s29 =	simm.s32 $0x9;
	_ =	strace $0x80000048  }
0xba: {  	_ =	swait.ge [sflag:s29], $0x1  }
0xbb: {  	[sflag:s29] =	ssyncadd.s32 $0xFFFFFFFF  }
0xbc: {  	_ =	strace $0x90000048  }
0xbd: {  	_ =	sfence  }
0xbe: {  	s30 =	sld [smem:$0x0];
	_ =	sdelay $0x2  }
0xbf: {  	s31 =	sshll.u32 s1, $0xD;
	s1 =	sshrl.u32 s1, $0x2  }
0xc0: {  	s3 =	sand.u32 $0x4000, s31;
	s1 =	sadd.s32 s1, s30  }
0xc1: {  	s0 =	sor.u32 s3, s0;
	s1 =	sshll.u32 s1, $0x11  }
0xc2: {  	s0 =	sor.u32 s1, s0  }
0xc3: {  	s0 =	sadd.s32 $0x8F2B, s0  }
0xc4: {  	[sflag:s0] =	ssyncadd.remote.s32 $0x1  }
0xc5: {  	_ =	sfence.sel $0xFFFF  }
0xc6: {  	[dreg:$0x0] =	wrdreg $0xFFFFFFFF;
	(pc) =	sbr.abs _section_cstart, $3  }
0xc7: {  	[dreg:$0x1] =	wrdreg $0xFFFFFFFF  }
0xc8: {  	_ =	task.clear_ibuf [dreg:s10], $0x2FFFF;
	_ =	strace $0x9FFFFFFF  }
0xc9: {  	(tm) =	ssettm $0x7FFFFFFF  }
tec
execute0_lowered:
.L_overlay_start_1:
0x0: {  	(tag) =	ssettag $0x1  }
0x1: {  	s0 =	rddreg [dreg:$0x0]  }
0x2: {  	s1 =	rddreg [dreg:$0x1]  }
0x3: {  	s4 =	rddreg [dreg:$0x2]  }
0x4: {  	s2 =	rddreg [dreg:$0x3]  }
0x5: {  	s9 =	rddreg [dreg:$0x4]  }
0x6: {  	s3 =	rddreg [dreg:$0x5];
	s5 =	srdreg.scid  }
0x7: {  	s15 =	stileid.u32;
	s17 =	simm.s32 $0x7;
	s19 =	simm.s32 $0x3000  }
0x8: {  	s20 =	simm.s32 $0x60;
	s28 =	simm.s32 $0x4;
	s29 =	simm.s32 $0x5  }
0x9: {  	s30 =	simm.s32 $0x6;
	s16 =	simm.s32 $0x0;
	s6 =	sand.u32 $0x1, s5  }
0xa: {  	s5 =	simm.s32 $0x0;
	s10 =	sshll.u32 s15, $0x7;
	s13 =	smul.u32 $0x4E000, s15  }
0xb: {  	s25 =	smul.u32 $0x13800, s15;
	p0 =	seq.s32 s15, $0xF;
	s7 =	sshll.u32 s6, $0x4  }
0xc: {  	[smem:$0x7FF] =	sst s5;
	s10 =	sand.u32 $0x380, s10;
	s12 =	ssub.s32 $0x2, s6  }
0xd: {  	s23 =	smul.u32 $0x138800, s6;
	s7 =	sor.u32 s15, s7;
	_ =	strace $0x80000047  }
0xe: {  	s14 =	sshrl.u32 s12, $0x1;
	s22 =	sshrl.u32 s13, $0x2;
	s13 =	sadd.s32 $0x124800, s3  }
0xf: {  	s8 =	sshrl.u32 s7, $0x3;
	s7 =	smul.u32 $0x380, s7;
	s21 =	ssub.s32 s12, s14  }
0x10: {  	s14 =	sadd.s32 s22, s3;
	s26 =	sadd.s32 s25, s23;
	s31 =	sshrl.u32 s23, $0x3  }
0x11: {  	s12 =	sshrl.u32 @p0 s13, $0x3;
	s22 =	simm.s32 $0x6080;
	s23 =	simm.s32 $0x9080  }
0x12: {  	s25 =	simm.s32 $0x2;
	s11 =	sshll.u32 s8, $0xA;
	s8 =	smul.u32 $0xA000, s8  }
0x13: {  	s14 =	sshrl.u32 @!p0 s14, $0x3;
	s11 =	sor.u32 s10, s11;
	s7 =	sadd.s32 s7, s4  }
0x14: {  	s11 =	sshrl.u32 s11, $0x3;
	s8 =	sor.u32 s10, s8;
	s7 =	sadd.s32 $0x600, s7  }
0x15: {  	s4 =	sadd.s32 s11, s4;
	s24 =	sshrl.u32 s8, $0x3;
	s11 =	smax.u32 s21, $0x1  }
0x16: {  	s21 =	simm.s32 $0x3080;
	s6 =	sadd.s32 s1, s24;
	s8 =	sadd.s32 $0x400, s4  }
0x17: {  	s1 =	sshrl.u32 s26, $0x3;
	s4 =	sadd.s32 s9, s31;
	s24 =	simm.s32 $0x1  }
0x18: {  	s26 =	simm.s32 $0x3;
	s9 =	sadd.s32 s9, s1;
	s1 =	sshll.u32 @!p0 s15, $0x6  }
0x19: {  	s10 =	sadd.s32 $0x24900, s4;
	s4 =	simm.s32 $0x8;
	s13 =	sor.u32 @!p0 $0x1C07, s1  }
.LBB2_1:
0x1a: {  	s18 =	simm.s32 @p0 $0x1FC7  }
0x1b: {  	[spmem:s12], [sflag:s18] =	dma.local @p0 [hbm:s2], $0x2800  }
0x1c: {  	s18 =	simm.s32 @p0 $0x7  }
0x1d: {  	_ =	swait.ge @p0 [sflag:s18], $0x2800  }
0x1e: {  	[sflag:s18] =	ssyncset.done @p0 $0x0  }
0x1f: {  	[sflag:s18] =	ssyncadd.s32 @p0 $0xFFFFD800;
	s18 =	simm.s32 @!p0 $0x7  }
0x20: {  	[spmem:s14], [sflag:s13] =	dma.local @!p0 [hbm:s2], $0x2700  }
0x21: {  	_ =	swait.ge @!p0 [sflag:s18], $0x2700  }
0x22: {  	[sflag:s18] =	ssyncset.done @!p0 $0x0  }
0x23: {  	s1 =	simm.s32 $0x80;
	s15 =	simm.s32 $0x400;
	[sflag:s18] =	ssyncadd.s32 @!p0 $0xFFFFD900  }
0x24: {  	[tilespmem:s5], [sflag:$0x7] =	stream.strided.gather [hbm4b:s6+s1], $0x1400, s15, s1, $0x38;
	[tilespmem:$0x1F900] =	vst v63  }
0x25: {  	_ =	swait.ge [sflag:s17], $0x1400  }
0x26: {  	[sflag:s17] =	ssyncset.done $0x0  }
0x27: {  	s18 =	simm.s32 $0x1400;
	[sflag:s17] =	ssyncadd.s32 $0xFFFFEC00  }
0x28: {  	[tilespmem:s18], [sflag:$0x7] =	stream.linear.gather [hbm4b:s7+s5], $0x1A00, $0x38;
	[tilespmem:$0x1F900] =	vst v63  }
0x29: {  	_ =	swait.ge [sflag:s17], $0x1A00  }
0x2a: {  	[sflag:s17] =	ssyncset.done $0x0  }
0x2b: {  	[sflag:s17] =	ssyncadd.s32 $0xFFFFE600  }
0x2c: {  	[tilespmem:s19], [sflag:$0x7] =	stream.linear.gather [hbm4b:s8+s5], $0x80, $0x38;
	[tilespmem:$0x1F900] =	vst v63  }
0x2d: {  	_ =	swait.ge [sflag:s17], $0x80  }
0x2e: {  	[sflag:s17] =	ssyncset.done $0x0  }
0x2f: {  	[sflag:s17] =	ssyncadd.s32 $0xFFFFFF80  }
0x30: {  	[bflag:$0x0] =	sbarrier.arrive $0xFFFF  }
0x31: {  	[tilespmem:s21], [sflag:$0x1] =	stream.indirect.gather [hbm4b:s0+s20], $0x80, s5, s20, $0xb8;
	[tilespmem:$0x1F900] =	vst v63  }
0x32: {  	s15 =	simm.s32 $0x60  }
0x33: {  	[tilespmem:s22], [sflag:$0x2] =	stream.indirect.gather [hbm4b:s0+s20], $0x80, s15, s20, $0xb8;
	[tilespmem:$0x1F900] =	vst v63  }
0x34: {  	s1 =	simm.s32 $0xC0  }
0x35: {  	[tilespmem:s23], [sflag:$0x3] =	stream.indirect.gather [hbm4b:s0+s20], $0x80, s1, s20, $0xb8;
	[tilespmem:$0x1F900] =	vst v63  }
0x36: {  	_ =	swait.ge [sflag:s24], $0x3000  }
0x37: {  	[sflag:s24] =	ssyncset.done $0x0  }
0x38: {  	s15 =	simm.s32 $0x1400;
	[sflag:s24] =	ssyncadd.s32 $0xFFFFD000  }
0x39: {  	[spmem:s3] =	stream.indirect.scatter.add.f32 [tilespmem:s21], [sflag:$0x4], $0x80, s15, s20, $0xb8;
	[tilespmem:$0x1F900] =	vst v63  }
0x3a: {  	_ =	swait.ge [sflag:s25], $0x3000  }
0x3b: {  	[sflag:s25] =	ssyncset.done $0x0  }
0x3c: {  	s1 =	simm.s32 $0x1480;
	[sflag:s25] =	ssyncadd.s32 $0xFFFFD000  }
0x3d: {  	[spmem:s3] =	stream.indirect.scatter.add.f32 [tilespmem:s22], [sflag:$0x5], $0x80, s1, s20, $0xb8;
	[tilespmem:$0x1F900] =	vst v63  }
0x3e: {  	_ =	swait.ge [sflag:s26], $0x3000  }
0x3f: {  	[sflag:s26] =	ssyncset.done $0x0  }
0x40: {  	s15 =	simm.s32 $0x1500;
	[sflag:s26] =	ssyncadd.s32 $0xFFFFD000  }
0x41: {  	[spmem:s3] =	stream.indirect.scatter.add.f32 [tilespmem:s23], [sflag:$0x6], $0x80, s15, s20, $0xb8;
	[tilespmem:$0x1F900] =	vst v63  }
0x42: {  	_ =	swait.ge [sflag:s28], $0x3000  }
0x43: {  	[sflag:s28] =	ssyncset.done $0x0  }
0x44: {  	[sflag:s28] =	ssyncadd.s32 $0xFFFFD000  }
0x45: {  	_ =	swait.ge [sflag:s29], $0x3000  }
0x46: {  	[sflag:s29] =	ssyncset.done $0x0  }
0x47: {  	[sflag:s29] =	ssyncadd.s32 $0xFFFFD000  }
0x48: {  	_ =	swait.ge [sflag:s30], $0x3000  }
0x49: {  	s31 =	simm.s32 $0x0;
	s18 =	simm.s32 $0x600;
	[sflag:s30] =	ssyncset.done $0x0  }
.LBB2_2:
0x4a: {  	p1 =	sne.s32 s18, $0x6000;
	[sflag:s30] =	ssyncadd.s32 $0xFFFFD000;
	s31 =	sadd.s32 $0x120, s31  }
0x4b: {  	[tilespmem:s21], [sflag:$0x1] =	stream.indirect.gather [hbm4b:s0+s20], $0x80, s31, s20, $0xb8;
	[tilespmem:$0x1F900] =	vst v63  }
0x4c: {  	s15 =	smov.u32 s18;
	s18 =	sadd.s32 $0x600, s18;
	s1 =	sadd.s32 $0x60, s31  }
0x4d: {  	[tilespmem:s22], [sflag:$0x2] =	stream.indirect.gather [hbm4b:s0+s20], $0x80, s1, s20, $0xb8;
	[tilespmem:$0x1F900] =	vst v63  }
0x4e: {  	s1 =	sadd.s32 $0xC0, s31  }
0x4f: {  	[tilespmem:s23], [sflag:$0x3] =	stream.indirect.gather [hbm4b:s0+s20], $0x80, s1, s20, $0xb8;
	[tilespmem:$0x1F900] =	vst v63  }
0x50: {  	_ =	swait.ge [sflag:s24], $0x3000  }
0x51: {  	s1 =	sshra.s32 s15, $0x2;
	[sflag:s24] =	ssyncset.done $0x0  }
0x52: {  	s15 =	sadd.s32 $0x1400, s1;
	[sflag:s24] =	ssyncadd.s32 $0xFFFFD000  }
0x53: {  	[spmem:s3] =	stream.indirect.scatter.add.f32 [tilespmem:s21], [sflag:$0x4], $0x80, s15, s20, $0xb8;
	[tilespmem:$0x1F900] =	vst v63  }
0x54: {  	_ =	swait.ge [sflag:s25], $0x3000  }
0x55: {  	[sflag:s25] =	ssyncset.done $0x0  }
0x56: {  	s15 =	sadd.s32 $0x1480, s1;
	[sflag:s25] =	ssyncadd.s32 $0xFFFFD000  }
0x57: {  	[spmem:s3] =	stream.indirect.scatter.add.f32 [tilespmem:s22], [sflag:$0x5], $0x80, s15, s20, $0xb8;
	[tilespmem:$0x1F900] =	vst v63  }
0x58: {  	_ =	swait.ge [sflag:s26], $0x3000  }
0x59: {  	[sflag:s26] =	ssyncset.done $0x0  }
0x5a: {  	s1 =	sadd.s32 $0x1500, s1;
	[sflag:s26] =	ssyncadd.s32 $0xFFFFD000  }
0x5b: {  	[spmem:s3] =	stream.indirect.scatter.add.f32 [tilespmem:s23], [sflag:$0x6], $0x80, s1, s20, $0xb8;
	[tilespmem:$0x1F900] =	vst v63  }
0x5c: {  	_ =	swait.ge [sflag:s28], $0x3000  }
0x5d: {  	[sflag:s28] =	ssyncset.done $0x0  }
0x5e: {  	[sflag:s28] =	ssyncadd.s32 $0xFFFFD000  }
.Ltmp0:
0x5f: {  	_ =	swait.ge [sflag:s29], $0x3000;
	(pc) =	sbr.rel @p1 .LBB2_2-.Ltmp0, $4  }
0x60: {  	[sflag:s29] =	ssyncset.done $0x0  }
0x61: {  	[sflag:s29] =	ssyncadd.s32 $0xFFFFD000  }
0x62: {  	_ =	swait.ge [sflag:s30], $0x3000  }
0x63: {  	[sflag:s30] =	ssyncset.done $0x0  }
0x64: {  	[sflag:s30] =	ssyncadd.s32 $0xFFFFD000;
	s1 =	simm.s32 $0x1320  }
0x65: {  	[tilespmem:s21], [sflag:$0x1] =	stream.indirect.gather [hbm4b:s0+s20], $0x80, s1, s20, $0xb8;
	[tilespmem:$0x1F900] =	vst v63  }
0x66: {  	_ =	swait.ge [sflag:s24], $0x3000  }
0x67: {  	[sflag:s24] =	ssyncset.done $0x0  }
0x68: {  	s18 =	simm.s32 $0x2D80;
	[sflag:s24] =	ssyncadd.s32 $0xFFFFD000  }
0x69: {  	[spmem:s3] =	stream.indirect.scatter.add.f32 [tilespmem:s21], [sflag:$0x4], $0x80, s18, s20, $0xb8;
	[tilespmem:$0x1F900] =	vst v63  }
0x6a: {  	_ =	swait.ge [sflag:s28], $0x3000  }
0x6b: {  	[sflag:s28] =	ssyncset.done $0x0  }
0x6c: {  	s31 =	simm.s32 $0x1380;
	[sflag:s28] =	ssyncadd.s32 $0xFFFFD000  }
0x6d: {  	[tilespmem:s21], [sflag:$0x1] =	stream.indirect.gather [hbm4b:s0+s4], $0x80, s31, s4, $0xb8;
	[tilespmem:$0x1F900] =	vst v63  }
0x6e: {  	_ =	swait.ge [sflag:s24], $0x400  }
0x6f: {  	[sflag:s24] =	ssyncset.done $0x0  }
0x70: {  	[sflag:s24] =	ssyncadd.s32 $0xFFFFFC00  }
0x71: {  	[spmem:s3] =	stream.indirect.scatter.add.f32 [tilespmem:s21], [sflag:$0x4], $0x80, s19, s4, $0xb8;
	[tilespmem:$0x1F900] =	vst v63  }
0x72: {  	_ =	swait.ge [sflag:s28], $0x400  }
0x73: {  	[sflag:s28] =	ssyncset.done $0x0  }
0x74: {  	[sflag:s28] =	ssyncadd.s32 $0xFFFFFC00  }
0x75: {  	s1 =	simm.s32 @p0 $0x1FC7;
	[bflag:$0x0] =	sbarrier.arrive $0xFFFF  }
0x76: {  	[hbm:s10], [sflag:s1] =	dma.local @p0 [spmem:s12], $0x2800  }
0x77: {  	s1 =	simm.s32 @p0 $0x7  }
0x78: {  	s16 =	sadd.s32 $0x1, s16;
	_ =	swait.ge @p0 [sflag:s1], $0x2800  }
0x79: {  	p1 =	sne.s32 s16, s11;
	[sflag:s1] =	ssyncset.done @p0 $0x0  }
.Ltmp1:
0x7a: {  	[sflag:s1] =	ssyncadd.s32 @p0 $0xFFFFD800;
	s1 =	simm.s32 @!p0 $0x7;
	(pc) =	sbr.rel @p1 .LBB2_1-.Ltmp1, $4  }
0x7b: {  	[hbm:s9], [sflag:s13] =	dma.local @!p0 [spmem:s14], $0x2700  }
0x7c: {  	_ =	swait.ge @!p0 [sflag:s1], $0x2700  }
0x7d: {  	[sflag:s1] =	ssyncset.done @!p0 $0x0  }
0x7e: {  	[sflag:s1] =	ssyncadd.s32 @!p0 $0xFFFFD900  }
0x7f: {  	_ =	sfence.sel $0x180000  }
0x80: {  	[bflag:$0x0] =	sbarrier.arrive $0xFFFF  }
0x81: {  	_ =	strace $0x90000047  }
0x82: {  	s0 =	stileid.u32;
	[bflag:$0x2] =	sbarrier.arrive $0xFFFF  }
0x83: {  	p0 =	sne.s32 s0, $0x0;
	s0 =	rddreg [dreg:$0x6]  }
0x84: {  	s0 =	sadd.s32 @!p0 $0x100000, s0  }
0x85: {  	[sflag:s0] =	ssyncadd.tile.s32 @!p0 $0x1;
	_ =	shalt  }
.Lfunc_end2:
_tile_overlayer_lowered:
.L_overlay_start_2:
0x86: {  	(tag) =	ssettag $0x2  }
0x87: {  	s0 =	rddreg [dreg:$0x0];
	s2 =	stileid.u32  }
0x88: {  	s1 =	rddreg [dreg:$0x1];
	p0 =	sne.s32 s2, $0x0  }
0x89: {  	s3 =	rddreg [dreg:$0x2];
	[bflag:$0x3] =	sbarrier.arrive $0xFFFF;
	s2 =	simm.s32 @!p0 $0x1C07  }
0x8a: {  	[timem:s3], [sflag:s2] =	dma.local @!p0 [hbm:s0], s1  }
0x8b: {  	s0 =	simm.s32 @!p0 $0x7  }
0x8c: {  	_ =	swait.ge @!p0 [sflag:s0], s1  }
0x8d: {  	s1 =	ssub.s32 @!p0 $0x0, s1;
	[sflag:s0] =	ssyncset.done @!p0 $0x0  }
0x8e: {  	[sflag:s0] =	ssyncadd.s32 @!p0 s1  }
0x8f: {  	[bflag:$0x3] =	sbarrier.arrive $0xFFFF  }
0x90: {  	_ =	shalt  }

</sc_bundles>
